<compile_context>
chip_gen: v7x
topology: tpu7x:2x2x1
jax: 0.10.2.dev20260603
libtpu: 0.0.44.dev20260713+nightly
codegen_flags: <defaults>
</compile_context>

<pallas_src>
import functools

import jax
import jax.numpy as jnp
from jax import lax
from jax.experimental import pallas as pl
from jax.experimental.pallas import tpu as pltpu
from jax.experimental.pallas import tpu_sc as plsc

_NS = 16
_NW = 32
_K = 128
_NBUF = 2


@functools.lru_cache(maxsize=None)
def _make_gather(B, V, D, dtype):
    n_full = B // _K
    tail = B - n_full * _K
    m_lo = (n_full // _NW) // _NBUF * _NBUF
    rem = n_full - _NW * m_lo
    n_hi = rem // _NBUF
    m_hi = m_lo + _NBUF
    n_extra = rem - n_hi * _NBUF
    extra_start = n_hi * m_hi + (_NW - n_hi) * m_lo
    slab_hi = m_hi * _K
    slab_lo = m_lo * _K
    slab_last = slab_lo + n_extra * _K + tail
    slab_max = max(slab_hi, slab_last)

    v_chunk = (V // _NS) // 8 * 8
    v_last_off = v_chunk * (_NS - 1)
    v_last = V - v_last_off

    mesh = plsc.VectorSubcoreMesh(core_axis_name="c", subcore_axis_name="s")

    @functools.partial(
        pl.kernel,
        mesh=mesh,
        out_type=jax.ShapeDtypeStruct((B, D), dtype),
        scratch_types=[
            pltpu.VMEM_SHARED((V, D), dtype),
            pltpu.VMEM((slab_max,), jnp.int32),
            *[pltpu.VMEM((_K, D), dtype) for _ in range(_NBUF)],
            *[pltpu.SemaphoreType.DMA for _ in range(2 * _NBUF)],
        ],
    )
    def gather_kernel(table_hbm, idx_hbm, out_hbm, shared, idx_v,
                      *bufs_and_sems):
        rows = bufs_and_sems[:_NBUF]
        sg = bufs_and_sems[_NBUF:2 * _NBUF]
        sw = bufs_and_sems[2 * _NBUF:]
        c = lax.axis_index("c")
        s = lax.axis_index("s")
        wid = s * 2 + c
        m = jnp.where(wid < n_hi, m_hi, m_lo)
        start = jnp.where(wid < n_hi, wid * m_hi,
                          n_hi * m_hi + (wid - n_hi) * m_lo)
        base = start * _K

        @pl.when(wid < n_hi)
        def _stage_idx_hi():
            pltpu.sync_copy(idx_hbm.at[pl.ds(base, slab_hi)],
                            idx_v.at[pl.ds(0, slab_hi)])

        @pl.when(jnp.logical_and(wid >= n_hi, wid < _NW - 1))
        def _stage_idx_lo():
            pltpu.sync_copy(idx_hbm.at[pl.ds(base, slab_lo)],
                            idx_v.at[pl.ds(0, slab_lo)])

        @pl.when(wid == _NW - 1)
        def _stage_idx_last():
            pltpu.sync_copy(idx_hbm.at[pl.ds(base, slab_last)],
                            idx_v.at[pl.ds(0, slab_last)])

        @pl.when(s < _NS - 1)
        def _stage_main():
            pltpu.sync_copy(table_hbm.at[pl.ds(s * v_chunk, v_chunk)],
                            shared.at[pl.ds(s * v_chunk, v_chunk)])

        @pl.when(s == _NS - 1)
        def _stage_last():
            pltpu.sync_copy(table_hbm.at[pl.ds(v_last_off, v_last)],
                            shared.at[pl.ds(v_last_off, v_last)])

        def g(j, b):
            return pltpu.async_copy(
                shared.at[idx_v.at[pl.ds(j * _K, _K)]], rows[b], sg[b])

        def g_drain(j, b):
            pltpu.make_async_copy(
                shared.at[idx_v.at[pl.ds(j * _K, _K)]], rows[b],
                sg[b]).wait()

        def w(j, b):
            return pltpu.async_copy(
                rows[b], out_hbm.at[pl.ds(base + j * _K, _K)], sw[b])

        for b in range(_NBUF):
            pltpu.async_copy(table_hbm.at[idx_v.at[pl.ds(b * _K, _K)]],
                             rows[b], sg[b])
        plsc.subcore_barrier()

        def body(p, carry):
            for b in range(_NBUF):
                j = p * _NBUF + b
                g_drain(j, b)
                w(j, b).wait()
                g(j + _NBUF, b)
            return carry

        lax.fori_loop(0, m // _NBUF - 1, body, 0)

        writes = []
        for b in range(_NBUF):
            j = m - _NBUF + b
            g_drain(j, b)
            writes.append(w(j, b))
        for wr in writes:
            wr.wait()

        if n_extra or tail:
            @pl.when(wid == _NW - 1)
            def _finish():
                for t in range(n_extra):
                    off = slab_lo + t * _K
                    row0 = extra_start * _K + t * _K
                    pltpu.async_copy(
                        shared.at[idx_v.at[pl.ds(off, _K)]], rows[0],
                        sg[0]).wait()
                    pltpu.async_copy(
                        rows[0], out_hbm.at[pl.ds(row0, _K)], sw[0]).wait()
                if tail:
                    off = slab_lo + n_extra * _K
                    row0 = (extra_start + n_extra) * _K
                    pltpu.async_copy(
                        shared.at[idx_v.at[pl.ds(off, tail)]],
                        rows[0].at[pl.ds(0, tail)], sg[0]).wait()
                    pltpu.async_copy(
                        rows[0].at[pl.ds(0, tail)],
                        out_hbm.at[pl.ds(row0, tail)], sw[0]).wait()

    return gather_kernel


def kernel(x_coarse, P):
    B = P.shape[0]
    V, D = x_coarse.shape
    idx = P.astype(jnp.int32)
    return _make_gather(B, V, D, x_coarse.dtype)(x_coarse, idx)

# --- scband reference (transcript-rebuilt; emitter-appended) ---
"""Pipeline reference for scband-cmgunpooling-33560874451160 (READ-ONLY COPY).

The authoritative reference and input builder live on the scoring server;
editing this copy changes nothing except your own understanding.
"""

import jax, jax.numpy as jnp
import numpy as np

N_FINE = 100000
N_COARSE = 10000
D_FEAT = 128

def setup_inputs(seed: int = 0) -> dict:
    key = jax.random.key(seed)
    k1, k2 = jax.random.split(key)
    x_coarse = jax.random.normal(k1, (N_COARSE, D_FEAT), dtype=jnp.float32)
    # P: prolongation operator represented as a cluster-assignment vector
    # (fine node i belongs to coarse cluster P[i]); equivalent to a binary
    # sparse matrix P[N_FINE, N_COARSE] applied as P @ x_coarse.
    P = jax.random.randint(k2, (N_FINE,), 0, N_COARSE, dtype=jnp.int64)
    return {"x_coarse": x_coarse, "P": P}

def reference(x_coarse, P):
    # CMGUnpooling with method='copy': broadcast each coarse cluster's
    # feature to every fine node in that cluster. With P stored as a
    # per-fine-node cluster id, P @ x_coarse reduces to a row gather.
    x_fine = jnp.take(x_coarse, P, axis=0)
    return x_fine

if __name__ == "__main__":
    import jax
    _d = setup_inputs()
    print(jax.jit(kernel)(*tuple(_d.values())))

</pallas_src>

<mosaic_0001>
#map = affine_map<(d0, d1) -> (0, 0)>
#map1 = affine_map<(d0, d1) -> (0)>
module attributes {stable_mosaic.version = 14 : i64} {
  func.func @gather_kernel(%arg0: i32, %arg1: i32, %arg2: memref<10000x128xf32, #tpu.memory_space<hbm>>, %arg3: memref<100000xi32, #tpu.memory_space<hbm>>, %arg4: memref<100000x128xf32, #tpu.memory_space<hbm>>, %arg5: memref<10000x128xf32, #tpu.memory_space<vmem_shared>>, %arg6: memref<3328xi32, #tpu.memory_space<vmem>>, %arg7: memref<128x128xf32, #tpu.memory_space<vmem>>, %arg8: memref<128x128xf32, #tpu.memory_space<vmem>>, %arg9: memref<!tpu.dma_semaphore, #tpu.memory_space<semaphore_mem>>, %arg10: memref<!tpu.dma_semaphore, #tpu.memory_space<semaphore_mem>>, %arg11: memref<!tpu.dma_semaphore, #tpu.memory_space<semaphore_mem>>, %arg12: memref<!tpu.dma_semaphore, #tpu.memory_space<semaphore_mem>>) attributes {dimension_semantics = [#tpu.dimension_semantics<core_parallel>, #tpu.dimension_semantics<subcore_parallel>], iteration_bounds = array<i64: 2, 16>, scalar_prefetch = 0 : i64, scratch_operands = 8 : i64, tpu.core_type = #tpu.core_type<sc_vector_subcore>, window_params = [{transform_indices = #map}, {transform_indices = #map1}, {transform_indices = #map}]} {
    %mul3A = arith.constant 2 : i32
    %mul3A_0 = arith.muli %arg1, %mul3A : i32
    %add3A = arith.addi %mul3A_0, %arg0 : i32
    %lt3A = arith.constant 6 : i32
    %lt3A_1 = arith.cmpi slt, %add3A, %lt3A : i32
    %jit3A = arith.constant 26 : i32
    %jit3A_2 = arith.constant 24 : i32
    %select_n3A = arith.select %lt3A_1, %jit3A, %jit3A_2 : i32
    %lt3A_3 = arith.constant 6 : i32
    %lt3A_4 = arith.cmpi slt, %add3A, %lt3A_3 : i32
    %mul3A_5 = arith.constant 26 : i32
    %mul3A_6 = arith.muli %add3A, %mul3A_5 : i32
    %sub3A = arith.constant 6 : i32
    %sub3A_7 = arith.subi %add3A, %sub3A : i32
    %mul3A_8 = arith.constant 24 : i32
    %mul3A_9 = arith.muli %sub3A_7, %mul3A_8 : i32
    %add3A_10 = arith.constant 156 : i32
    %add3A_11 = arith.addi %add3A_10, %mul3A_9 : i32
    %select_n3A_12 = arith.select %lt3A_4, %mul3A_6, %add3A_11 : i32
    %mul3A_13 = arith.constant 128 : i32
    %mul3A_14 = arith.muli %select_n3A_12, %mul3A_13 : i32
    %lt3A_15 = arith.constant 6 : i32
    %lt3A_16 = arith.cmpi slt, %add3A, %lt3A_15 : i32
    %convert_element_type3A = arith.extui %lt3A_16 : i1 to i32
    %cond3A = arith.constant 0 : i32
    %cond3A_17 = arith.cmpi ne, %convert_element_type3A, %cond3A : i32
    scf.if %cond3A_17 {
      "tpu.region"() ({
        %run_scoped3A = tpu.sem_alloc : memref<!tpu.dma_semaphore, #tpu.memory_space<semaphore_mem>>
        %dma_start3A_124 = arith.constant 0 : i32
        %dma_start3A_125 = tpu.memref_slice %arg6[%dma_start3A_124] : memref<3328xi32, #tpu.memory_space<vmem>> -> memref<3328xi32, #tpu.memory_space<vmem>>
        %dma_start3A_126 = tpu.memref_slice %arg3[%mul3A_14] : memref<100000xi32, #tpu.memory_space<hbm>> -> memref<3328xi32, #tpu.memory_space<hbm>>
        %dma_start3A_127 = arith.constant 0 : i32
        %dma_start3A_128 = tpu.memref_slice %arg6[%dma_start3A_127] : memref<3328xi32, #tpu.memory_space<vmem>> -> memref<3328xi32, #tpu.memory_space<vmem>>
        %dma_start3A_129 = tpu.memref_slice %arg3[%mul3A_14] : memref<100000xi32, #tpu.memory_space<hbm>> -> memref<3328xi32, #tpu.memory_space<hbm>>
        tpu.enqueue_dma source(%dma_start3A_129 : memref<3328xi32, #tpu.memory_space<hbm>>) target(%dma_start3A_128 : memref<3328xi32, #tpu.memory_space<vmem>>) target_semaphore(%run_scoped3A : memref<!tpu.dma_semaphore, #tpu.memory_space<semaphore_mem>>)
        %dma_wait3A_130 = arith.constant 0 : i32
        %dma_wait3A_131 = tpu.memref_slice %arg6[%dma_wait3A_130] : memref<3328xi32, #tpu.memory_space<vmem>> -> memref<3328xi32, #tpu.memory_space<vmem>>
        %dma_wait3A_132 = tpu.memref_slice %arg3[%mul3A_14] : memref<100000xi32, #tpu.memory_space<hbm>> -> memref<3328xi32, #tpu.memory_space<hbm>>
        %dma_wait3A_133 = arith.constant 0 : i32
        %dma_wait3A_134 = tpu.memref_slice %arg6[%dma_wait3A_133] : memref<3328xi32, #tpu.memory_space<vmem>> -> memref<3328xi32, #tpu.memory_space<vmem>>
        %dma_wait3A_135 = tpu.memref_slice %arg3[%mul3A_14] : memref<100000xi32, #tpu.memory_space<hbm>> -> memref<3328xi32, #tpu.memory_space<hbm>>
        tpu.wait_dma2 semaphore(%run_scoped3A : memref<!tpu.dma_semaphore, #tpu.memory_space<semaphore_mem>>) src(%dma_wait3A_135 : memref<3328xi32, #tpu.memory_space<hbm>>) dst(%dma_wait3A_134 : memref<3328xi32, #tpu.memory_space<vmem>>)
        tpu.yield
      }) : () -> ()
    } else {
    }
    %ge3A = arith.constant 6 : i32
    %ge3A_18 = arith.cmpi sge, %add3A, %ge3A : i32
    %lt3A_19 = arith.constant 31 : i32
    %lt3A_20 = arith.cmpi slt, %add3A, %lt3A_19 : i32
    %and3A = arith.andi %ge3A_18, %lt3A_20 : i1
    %convert_element_type3A_21 = arith.extui %and3A : i1 to i32
    %cond3A_22 = arith.constant 0 : i32
    %cond3A_23 = arith.cmpi ne, %convert_element_type3A_21, %cond3A_22 : i32
    scf.if %cond3A_23 {
      "tpu.region"() ({
        %run_scoped3A = tpu.sem_alloc : memref<!tpu.dma_semaphore, #tpu.memory_space<semaphore_mem>>
        %dma_start3A_124 = arith.constant 0 : i32
        %dma_start3A_125 = tpu.memref_slice %arg6[%dma_start3A_124] : memref<3328xi32, #tpu.memory_space<vmem>> -> memref<3072xi32, #tpu.memory_space<vmem>>
        %dma_start3A_126 = tpu.memref_slice %arg3[%mul3A_14] : memref<100000xi32, #tpu.memory_space<hbm>> -> memref<3072xi32, #tpu.memory_space<hbm>>
        %dma_start3A_127 = arith.constant 0 : i32
        %dma_start3A_128 = tpu.memref_slice %arg6[%dma_start3A_127] : memref<3328xi32, #tpu.memory_space<vmem>> -> memref<3072xi32, #tpu.memory_space<vmem>>
        %dma_start3A_129 = tpu.memref_slice %arg3[%mul3A_14] : memref<100000xi32, #tpu.memory_space<hbm>> -> memref<3072xi32, #tpu.memory_space<hbm>>
        tpu.enqueue_dma source(%dma_start3A_129 : memref<3072xi32, #tpu.memory_space<hbm>>) target(%dma_start3A_128 : memref<3072xi32, #tpu.memory_space<vmem>>) target_semaphore(%run_scoped3A : memref<!tpu.dma_semaphore, #tpu.memory_space<semaphore_mem>>)
        %dma_wait3A_130 = arith.constant 0 : i32
        %dma_wait3A_131 = tpu.memref_slice %arg6[%dma_wait3A_130] : memref<3328xi32, #tpu.memory_space<vmem>> -> memref<3072xi32, #tpu.memory_space<vmem>>
        %dma_wait3A_132 = tpu.memref_slice %arg3[%mul3A_14] : memref<100000xi32, #tpu.memory_space<hbm>> -> memref<3072xi32, #tpu.memory_space<hbm>>
        %dma_wait3A_133 = arith.constant 0 : i32
        %dma_wait3A_134 = tpu.memref_slice %arg6[%dma_wait3A_133] : memref<3328xi32, #tpu.memory_space<vmem>> -> memref<3072xi32, #tpu.memory_space<vmem>>
        %dma_wait3A_135 = tpu.memref_slice %arg3[%mul3A_14] : memref<100000xi32, #tpu.memory_space<hbm>> -> memref<3072xi32, #tpu.memory_space<hbm>>
        tpu.wait_dma2 semaphore(%run_scoped3A : memref<!tpu.dma_semaphore, #tpu.memory_space<semaphore_mem>>) src(%dma_wait3A_135 : memref<3072xi32, #tpu.memory_space<hbm>>) dst(%dma_wait3A_134 : memref<3072xi32, #tpu.memory_space<vmem>>)
        tpu.yield
      }) : () -> ()
    } else {
    }
    %eq3A = arith.constant 31 : i32
    %eq3A_24 = arith.cmpi eq, %add3A, %eq3A : i32
    %convert_element_type3A_25 = arith.extui %eq3A_24 : i1 to i32
    %cond3A_26 = arith.constant 0 : i32
    %cond3A_27 = arith.cmpi ne, %convert_element_type3A_25, %cond3A_26 : i32
    scf.if %cond3A_27 {
      "tpu.region"() ({
        %run_scoped3A = tpu.sem_alloc : memref<!tpu.dma_semaphore, #tpu.memory_space<semaphore_mem>>
        %dma_start3A_124 = arith.constant 0 : i32
        %dma_start3A_125 = tpu.memref_slice %arg6[%dma_start3A_124] : memref<3328xi32, #tpu.memory_space<vmem>> -> memref<3232xi32, #tpu.memory_space<vmem>>
        %dma_start3A_126 = tpu.memref_slice %arg3[%mul3A_14] : memref<100000xi32, #tpu.memory_space<hbm>> -> memref<3232xi32, #tpu.memory_space<hbm>>
        %dma_start3A_127 = arith.constant 0 : i32
        %dma_start3A_128 = tpu.memref_slice %arg6[%dma_start3A_127] : memref<3328xi32, #tpu.memory_space<vmem>> -> memref<3232xi32, #tpu.memory_space<vmem>>
        %dma_start3A_129 = tpu.memref_slice %arg3[%mul3A_14] : memref<100000xi32, #tpu.memory_space<hbm>> -> memref<3232xi32, #tpu.memory_space<hbm>>
        tpu.enqueue_dma source(%dma_start3A_129 : memref<3232xi32, #tpu.memory_space<hbm>>) target(%dma_start3A_128 : memref<3232xi32, #tpu.memory_space<vmem>>) target_semaphore(%run_scoped3A : memref<!tpu.dma_semaphore, #tpu.memory_space<semaphore_mem>>)
        %dma_wait3A_130 = arith.constant 0 : i32
        %dma_wait3A_131 = tpu.memref_slice %arg6[%dma_wait3A_130] : memref<3328xi32, #tpu.memory_space<vmem>> -> memref<3232xi32, #tpu.memory_space<vmem>>
        %dma_wait3A_132 = tpu.memref_slice %arg3[%mul3A_14] : memref<100000xi32, #tpu.memory_space<hbm>> -> memref<3232xi32, #tpu.memory_space<hbm>>
        %dma_wait3A_133 = arith.constant 0 : i32
        %dma_wait3A_134 = tpu.memref_slice %arg6[%dma_wait3A_133] : memref<3328xi32, #tpu.memory_space<vmem>> -> memref<3232xi32, #tpu.memory_space<vmem>>
        %dma_wait3A_135 = tpu.memref_slice %arg3[%mul3A_14] : memref<100000xi32, #tpu.memory_space<hbm>> -> memref<3232xi32, #tpu.memory_space<hbm>>
        tpu.wait_dma2 semaphore(%run_scoped3A : memref<!tpu.dma_semaphore, #tpu.memory_space<semaphore_mem>>) src(%dma_wait3A_135 : memref<3232xi32, #tpu.memory_space<hbm>>) dst(%dma_wait3A_134 : memref<3232xi32, #tpu.memory_space<vmem>>)
        tpu.yield
      }) : () -> ()
    } else {
    }
    %lt3A_28 = arith.constant 15 : i32
    %lt3A_29 = arith.cmpi slt, %arg1, %lt3A_28 : i32
    %convert_element_type3A_30 = arith.extui %lt3A_29 : i1 to i32
    %cond3A_31 = arith.constant 0 : i32
    %cond3A_32 = arith.cmpi ne, %convert_element_type3A_30, %cond3A_31 : i32
    scf.if %cond3A_32 {
      %mul3A_124 = arith.constant 624 : i32
      %mul3A_125 = arith.muli %arg1, %mul3A_124 : i32
      %mul3A_126 = arith.constant 624 : i32
      %mul3A_127 = arith.muli %arg1, %mul3A_126 : i32
      "tpu.region"() ({
        %run_scoped3A = tpu.sem_alloc : memref<!tpu.dma_semaphore, #tpu.memory_space<semaphore_mem>>
        %dma_start3A_128 = arith.constant 0 : i32
        %dma_start3A_129 = tpu.memref_slice %arg5[%mul3A_127, %dma_start3A_128] : memref<10000x128xf32, #tpu.memory_space<vmem_shared>> -> memref<624x128xf32, #tpu.memory_space<vmem_shared>>
        %dma_start3A_130 = arith.constant 0 : i32
        %dma_start3A_131 = tpu.memref_slice %arg2[%mul3A_125, %dma_start3A_130] : memref<10000x128xf32, #tpu.memory_space<hbm>> -> memref<624x128xf32, #tpu.memory_space<hbm>>
        tpu.enqueue_dma source(%dma_start3A_131 : memref<624x128xf32, #tpu.memory_space<hbm>>) target(%dma_start3A_129 : memref<624x128xf32, #tpu.memory_space<vmem_shared>>) target_semaphore(%run_scoped3A : memref<!tpu.dma_semaphore, #tpu.memory_space<semaphore_mem>>)
        %dma_wait3A_132 = arith.constant 0 : i32
        %dma_wait3A_133 = tpu.memref_slice %arg5[%mul3A_127, %dma_wait3A_132] : memref<10000x128xf32, #tpu.memory_space<vmem_shared>> -> memref<624x128xf32, #tpu.memory_space<vmem_shared>>
        %dma_wait3A_134 = arith.constant 0 : i32
        %dma_wait3A_135 = tpu.memref_slice %arg2[%mul3A_125, %dma_wait3A_134] : memref<10000x128xf32, #tpu.memory_space<hbm>> -> memref<624x128xf32, #tpu.memory_space<hbm>>
        tpu.wait_dma2 semaphore(%run_scoped3A : memref<!tpu.dma_semaphore, #tpu.memory_space<semaphore_mem>>) src(%dma_wait3A_135 : memref<624x128xf32, #tpu.memory_space<hbm>>) dst(%dma_wait3A_133 : memref<624x128xf32, #tpu.memory_space<vmem_shared>>)
        tpu.yield
      }) : () -> ()
    } else {
    }
    %eq3A_33 = arith.constant 15 : i32
    %eq3A_34 = arith.cmpi eq, %arg1, %eq3A_33 : i32
    %convert_element_type3A_35 = arith.extui %eq3A_34 : i1 to i32
    %cond3A_36 = arith.constant 0 : i32
    %cond3A_37 = arith.cmpi ne, %convert_element_type3A_35, %cond3A_36 : i32
    scf.if %cond3A_37 {
      "tpu.region"() ({
        %run_scoped3A = tpu.sem_alloc : memref<!tpu.dma_semaphore, #tpu.memory_space<semaphore_mem>>
        %dma_start3A_124 = arith.constant 9360 : i32
        %dma_start3A_125 = arith.constant 0 : i32
        %dma_start3A_126 = tpu.memref_slice %arg5[%dma_start3A_124, %dma_start3A_125] : memref<10000x128xf32, #tpu.memory_space<vmem_shared>> -> memref<640x128xf32, #tpu.memory_space<vmem_shared>>
        %dma_start3A_127 = arith.constant 9360 : i32
        %dma_start3A_128 = arith.constant 0 : i32
        %dma_start3A_129 = tpu.memref_slice %arg2[%dma_start3A_127, %dma_start3A_128] : memref<10000x128xf32, #tpu.memory_space<hbm>> -> memref<640x128xf32, #tpu.memory_space<hbm>>
        tpu.enqueue_dma source(%dma_start3A_129 : memref<640x128xf32, #tpu.memory_space<hbm>>) target(%dma_start3A_126 : memref<640x128xf32, #tpu.memory_space<vmem_shared>>) target_semaphore(%run_scoped3A : memref<!tpu.dma_semaphore, #tpu.memory_space<semaphore_mem>>)
        %dma_wait3A_130 = arith.constant 9360 : i32
        %dma_wait3A_131 = arith.constant 0 : i32
        %dma_wait3A_132 = tpu.memref_slice %arg5[%dma_wait3A_130, %dma_wait3A_131] : memref<10000x128xf32, #tpu.memory_space<vmem_shared>> -> memref<640x128xf32, #tpu.memory_space<vmem_shared>>
        %dma_wait3A_133 = arith.constant 9360 : i32
        %dma_wait3A_134 = arith.constant 0 : i32
        %dma_wait3A_135 = tpu.memref_slice %arg2[%dma_wait3A_133, %dma_wait3A_134] : memref<10000x128xf32, #tpu.memory_space<hbm>> -> memref<640x128xf32, #tpu.memory_space<hbm>>
        tpu.wait_dma2 semaphore(%run_scoped3A : memref<!tpu.dma_semaphore, #tpu.memory_space<semaphore_mem>>) src(%dma_wait3A_135 : memref<640x128xf32, #tpu.memory_space<hbm>>) dst(%dma_wait3A_132 : memref<640x128xf32, #tpu.memory_space<vmem_shared>>)
        tpu.yield
      }) : () -> ()
    } else {
    }
    %dma_start3A = arith.constant 0 : i32
    %dma_start3A_38 = tpu.memref_slice %arg6[%dma_start3A] : memref<3328xi32, #tpu.memory_space<vmem>> -> memref<128xi32, #tpu.memory_space<vmem>>
    %dma_start3A_39 = arith.constant 0 : i32
    %dma_start3A_40 = arith.constant 0 : i32
    %dma_start3A_41 = tpu.memref_slice %arg2[%dma_start3A_39, %dma_start3A_40] : memref<10000x128xf32, #tpu.memory_space<hbm>> -> memref<10000x128xf32, #tpu.memory_space<hbm>>
    tpu.enqueue_indirect_dma source(%dma_start3A_41 : memref<10000x128xf32, #tpu.memory_space<hbm>>) target(%arg7 : memref<128x128xf32, #tpu.memory_space<vmem>>) offsets(%dma_start3A_38 : memref<128xi32, #tpu.memory_space<vmem>>) semaphore(%arg9 : memref<!tpu.dma_semaphore, #tpu.memory_space<semaphore_mem>>)
    %dma_start3A_42 = arith.constant 128 : i32
    %dma_start3A_43 = tpu.memref_slice %arg6[%dma_start3A_42] : memref<3328xi32, #tpu.memory_space<vmem>> -> memref<128xi32, #tpu.memory_space<vmem>>
    %dma_start3A_44 = arith.constant 0 : i32
    %dma_start3A_45 = arith.constant 0 : i32
    %dma_start3A_46 = tpu.memref_slice %arg2[%dma_start3A_44, %dma_start3A_45] : memref<10000x128xf32, #tpu.memory_space<hbm>> -> memref<10000x128xf32, #tpu.memory_space<hbm>>
    tpu.enqueue_indirect_dma source(%dma_start3A_46 : memref<10000x128xf32, #tpu.memory_space<hbm>>) target(%arg8 : memref<128x128xf32, #tpu.memory_space<vmem>>) offsets(%dma_start3A_43 : memref<128xi32, #tpu.memory_space<vmem>>) semaphore(%arg10 : memref<!tpu.dma_semaphore, #tpu.memory_space<semaphore_mem>>)
    %barrier3A = arith.constant 0 : index
    tpu.barrier barrier_id(%barrier3A)
    %jit3A_47 = arith.constant 2 : i32
    %div3A = arith.divsi %select_n3A, %jit3A_47 : i32
    %sign3A = arith.constant 0 : i32
    %sign3A_48 = arith.cmpi sgt, %select_n3A, %sign3A : i32
    %sign3A_49 = arith.extui %sign3A_48 : i1 to i32
    %sign3A_50 = arith.constant 0 : i32
    %sign3A_51 = arith.cmpi slt, %select_n3A, %sign3A_50 : i32
    %sign3A_52 = arith.extui %sign3A_51 : i1 to i32
    %sign3A_53 = arith.subi %sign3A_49, %sign3A_52 : i32
    %sign3A_54 = arith.constant 0 : i32
    %sign3A_55 = arith.cmpi sgt, %jit3A_47, %sign3A_54 : i32
    %sign3A_56 = arith.extui %sign3A_55 : i1 to i32
    %sign3A_57 = arith.constant 0 : i32
    %sign3A_58 = arith.cmpi slt, %jit3A_47, %sign3A_57 : i32
    %sign3A_59 = arith.extui %sign3A_58 : i1 to i32
    %sign3A_60 = arith.subi %sign3A_56, %sign3A_59 : i32
    %ne3A = arith.cmpi ne, %sign3A_53, %sign3A_60 : i32
    %rem3A = arith.remsi %select_n3A, %jit3A_47 : i32
    %ne3A_61 = arith.constant 0 : i32
    %ne3A_62 = arith.cmpi ne, %rem3A, %ne3A_61 : i32
    %and3A_63 = arith.andi %ne3A, %ne3A_62 : i1
    %sub3A_64 = arith.constant 1 : i32
    %sub3A_65 = arith.subi %div3A, %sub3A_64 : i32
    %select_n3A_66 = arith.select %and3A_63, %sub3A_65, %div3A : i32
    %sub3A_67 = arith.constant 1 : i32
    %sub3A_68 = arith.subi %select_n3A_66, %sub3A_67 : i32
    %while3A = arith.constant 0 : i32
    %while3A_69 = arith.constant 0 : i32
    %while3A_70 = arith.subi %sub3A_68, %while3A_69 : i32
    %while3A_71 = arith.addi %while3A_69, %while3A_70 : i32
    %while3A_72 = arith.constant 1 : i32
    %while3A_73 = arith.divsi %while3A_70, %while3A_72 : i32
    %while3A_74 = arith.muli %while3A_73, %while3A_72 : i32
    %while3A_75 = arith.addi %while3A_69, %while3A_74 : i32
    %while3A_76 = arith.constant 1 : i32
    scf.for %while3A_124 = %while3A_69 to %while3A_75 step %while3A_76  : i32 {
      %mul3A_125 = arith.constant 2 : i32
      %mul3A_126 = arith.muli %while3A_124, %mul3A_125 : i32
      %add3A_127 = arith.constant 0 : i32
      %add3A_128 = arith.addi %mul3A_126, %add3A_127 : i32
      %mul3A_129 = arith.constant 128 : i32
      %mul3A_130 = arith.muli %add3A_128, %mul3A_129 : i32
      %dma_wait3A_131 = tpu.memref_slice %arg6[%mul3A_130] : memref<3328xi32, #tpu.memory_space<vmem>> -> memref<128xi32, #tpu.memory_space<vmem>>
      %dma_wait3A_132 = arith.constant 0 : i32
      %dma_wait3A_133 = arith.constant 0 : i32
      %dma_wait3A_134 = tpu.memref_slice %arg5[%dma_wait3A_132, %dma_wait3A_133] : memref<10000x128xf32, #tpu.memory_space<vmem_shared>> -> memref<10000x128xf32, #tpu.memory_space<vmem_shared>>
      tpu.wait_indirect_dma semaphore(%arg9 : memref<!tpu.dma_semaphore, #tpu.memory_space<semaphore_mem>>) src(%dma_wait3A_134 : memref<10000x128xf32, #tpu.memory_space<vmem_shared>>) dst(%arg7 : memref<128x128xf32, #tpu.memory_space<vmem>>)
      %mul3A_135 = arith.constant 128 : i32
      %mul3A_136 = arith.muli %add3A_128, %mul3A_135 : i32
      %add3A_137 = arith.addi %mul3A_14, %mul3A_136 : i32
      %dma_start3A_138 = arith.constant 0 : i32
      %dma_start3A_139 = tpu.memref_slice %arg4[%add3A_137, %dma_start3A_138] : memref<100000x128xf32, #tpu.memory_space<hbm>> -> memref<128x128xf32, #tpu.memory_space<hbm>>
      %dma_start3A_140 = arith.constant 0 : i32
      %dma_start3A_141 = tpu.memref_slice %arg4[%add3A_137, %dma_start3A_140] : memref<100000x128xf32, #tpu.memory_space<hbm>> -> memref<128x128xf32, #tpu.memory_space<hbm>>
      tpu.enqueue_dma source(%arg7 : memref<128x128xf32, #tpu.memory_space<vmem>>) target(%dma_start3A_141 : memref<128x128xf32, #tpu.memory_space<hbm>>) target_semaphore(%arg11 : memref<!tpu.dma_semaphore, #tpu.memory_space<semaphore_mem>>)
      %dma_wait3A_142 = arith.constant 0 : i32
      %dma_wait3A_143 = tpu.memref_slice %arg4[%add3A_137, %dma_wait3A_142] : memref<100000x128xf32, #tpu.memory_space<hbm>> -> memref<128x128xf32, #tpu.memory_space<hbm>>
      %dma_wait3A_144 = arith.constant 0 : i32
      %dma_wait3A_145 = tpu.memref_slice %arg4[%add3A_137, %dma_wait3A_144] : memref<100000x128xf32, #tpu.memory_space<hbm>> -> memref<128x128xf32, #tpu.memory_space<hbm>>
      tpu.wait_dma2 semaphore(%arg11 : memref<!tpu.dma_semaphore, #tpu.memory_space<semaphore_mem>>) src(%arg7 : memref<128x128xf32, #tpu.memory_space<vmem>>) dst(%dma_wait3A_145 : memref<128x128xf32, #tpu.memory_space<hbm>>)
      %add3A_146 = arith.constant 2 : i32
      %add3A_147 = arith.addi %add3A_128, %add3A_146 : i32
      %mul3A_148 = arith.constant 128 : i32
      %mul3A_149 = arith.muli %add3A_147, %mul3A_148 : i32
      %dma_start3A_150 = tpu.memref_slice %arg6[%mul3A_149] : memref<3328xi32, #tpu.memory_space<vmem>> -> memref<128xi32, #tpu.memory_space<vmem>>
      %dma_start3A_151 = arith.constant 0 : i32
      %dma_start3A_152 = arith.constant 0 : i32
      %dma_start3A_153 = tpu.memref_slice %arg5[%dma_start3A_151, %dma_start3A_152] : memref<10000x128xf32, #tpu.memory_space<vmem_shared>> -> memref<10000x128xf32, #tpu.memory_space<vmem_shared>>
      tpu.enqueue_indirect_dma source(%dma_start3A_153 : memref<10000x128xf32, #tpu.memory_space<vmem_shared>>) target(%arg7 : memref<128x128xf32, #tpu.memory_space<vmem>>) offsets(%dma_start3A_150 : memref<128xi32, #tpu.memory_space<vmem>>) semaphore(%arg9 : memref<!tpu.dma_semaphore, #tpu.memory_space<semaphore_mem>>)
      %mul3A_154 = arith.constant 2 : i32
      %mul3A_155 = arith.muli %while3A_124, %mul3A_154 : i32
      %add3A_156 = arith.constant 1 : i32
      %add3A_157 = arith.addi %mul3A_155, %add3A_156 : i32
      %mul3A_158 = arith.constant 128 : i32
      %mul3A_159 = arith.muli %add3A_157, %mul3A_158 : i32
      %dma_wait3A_160 = tpu.memref_slice %arg6[%mul3A_159] : memref<3328xi32, #tpu.memory_space<vmem>> -> memref<128xi32, #tpu.memory_space<vmem>>
      %dma_wait3A_161 = arith.constant 0 : i32
      %dma_wait3A_162 = arith.constant 0 : i32
      %dma_wait3A_163 = tpu.memref_slice %arg5[%dma_wait3A_161, %dma_wait3A_162] : memref<10000x128xf32, #tpu.memory_space<vmem_shared>> -> memref<10000x128xf32, #tpu.memory_space<vmem_shared>>
      tpu.wait_indirect_dma semaphore(%arg10 : memref<!tpu.dma_semaphore, #tpu.memory_space<semaphore_mem>>) src(%dma_wait3A_163 : memref<10000x128xf32, #tpu.memory_space<vmem_shared>>) dst(%arg8 : memref<128x128xf32, #tpu.memory_space<vmem>>)
      %mul3A_164 = arith.constant 128 : i32
      %mul3A_165 = arith.muli %add3A_157, %mul3A_164 : i32
      %add3A_166 = arith.addi %mul3A_14, %mul3A_165 : i32
      %dma_start3A_167 = arith.constant 0 : i32
      %dma_start3A_168 = tpu.memref_slice %arg4[%add3A_166, %dma_start3A_167] : memref<100000x128xf32, #tpu.memory_space<hbm>> -> memref<128x128xf32, #tpu.memory_space<hbm>>
      %dma_start3A_169 = arith.constant 0 : i32
      %dma_start3A_170 = tpu.memref_slice %arg4[%add3A_166, %dma_start3A_169] : memref<100000x128xf32, #tpu.memory_space<hbm>> -> memref<128x128xf32, #tpu.memory_space<hbm>>
      tpu.enqueue_dma source(%arg8 : memref<128x128xf32, #tpu.memory_space<vmem>>) target(%dma_start3A_170 : memref<128x128xf32, #tpu.memory_space<hbm>>) target_semaphore(%arg12 : memref<!tpu.dma_semaphore, #tpu.memory_space<semaphore_mem>>)
      %dma_wait3A_171 = arith.constant 0 : i32
      %dma_wait3A_172 = tpu.memref_slice %arg4[%add3A_166, %dma_wait3A_171] : memref<100000x128xf32, #tpu.memory_space<hbm>> -> memref<128x128xf32, #tpu.memory_space<hbm>>
      %dma_wait3A_173 = arith.constant 0 : i32
      %dma_wait3A_174 = tpu.memref_slice %arg4[%add3A_166, %dma_wait3A_173] : memref<100000x128xf32, #tpu.memory_space<hbm>> -> memref<128x128xf32, #tpu.memory_space<hbm>>
      tpu.wait_dma2 semaphore(%arg12 : memref<!tpu.dma_semaphore, #tpu.memory_space<semaphore_mem>>) src(%arg8 : memref<128x128xf32, #tpu.memory_space<vmem>>) dst(%dma_wait3A_174 : memref<128x128xf32, #tpu.memory_space<hbm>>)
      %add3A_175 = arith.constant 2 : i32
      %add3A_176 = arith.addi %add3A_157, %add3A_175 : i32
      %mul3A_177 = arith.constant 128 : i32
      %mul3A_178 = arith.muli %add3A_176, %mul3A_177 : i32
      %dma_start3A_179 = tpu.memref_slice %arg6[%mul3A_178] : memref<3328xi32, #tpu.memory_space<vmem>> -> memref<128xi32, #tpu.memory_space<vmem>>
      %dma_start3A_180 = arith.constant 0 : i32
      %dma_start3A_181 = arith.constant 0 : i32
      %dma_start3A_182 = tpu.memref_slice %arg5[%dma_start3A_180, %dma_start3A_181] : memref<10000x128xf32, #tpu.memory_space<vmem_shared>> -> memref<10000x128xf32, #tpu.memory_space<vmem_shared>>
      tpu.enqueue_indirect_dma source(%dma_start3A_182 : memref<10000x128xf32, #tpu.memory_space<vmem_shared>>) target(%arg8 : memref<128x128xf32, #tpu.memory_space<vmem>>) offsets(%dma_start3A_179 : memref<128xi32, #tpu.memory_space<vmem>>) semaphore(%arg10 : memref<!tpu.dma_semaphore, #tpu.memory_space<semaphore_mem>>)
    }
    %while3A_77 = arith.constant 1 : i32
    scf.for %while3A_124 = %while3A_75 to %while3A_71 step %while3A_77  : i32 {
      %mul3A_125 = arith.constant 2 : i32
      %mul3A_126 = arith.muli %while3A_124, %mul3A_125 : i32
      %add3A_127 = arith.constant 0 : i32
      %add3A_128 = arith.addi %mul3A_126, %add3A_127 : i32
      %mul3A_129 = arith.constant 128 : i32
      %mul3A_130 = arith.muli %add3A_128, %mul3A_129 : i32
      %dma_wait3A_131 = tpu.memref_slice %arg6[%mul3A_130] : memref<3328xi32, #tpu.memory_space<vmem>> -> memref<128xi32, #tpu.memory_space<vmem>>
      %dma_wait3A_132 = arith.constant 0 : i32
      %dma_wait3A_133 = arith.constant 0 : i32
      %dma_wait3A_134 = tpu.memref_slice %arg5[%dma_wait3A_132, %dma_wait3A_133] : memref<10000x128xf32, #tpu.memory_space<vmem_shared>> -> memref<10000x128xf32, #tpu.memory_space<vmem_shared>>
      tpu.wait_indirect_dma semaphore(%arg9 : memref<!tpu.dma_semaphore, #tpu.memory_space<semaphore_mem>>) src(%dma_wait3A_134 : memref<10000x128xf32, #tpu.memory_space<vmem_shared>>) dst(%arg7 : memref<128x128xf32, #tpu.memory_space<vmem>>)
      %mul3A_135 = arith.constant 128 : i32
      %mul3A_136 = arith.muli %add3A_128, %mul3A_135 : i32
      %add3A_137 = arith.addi %mul3A_14, %mul3A_136 : i32
      %dma_start3A_138 = arith.constant 0 : i32
      %dma_start3A_139 = tpu.memref_slice %arg4[%add3A_137, %dma_start3A_138] : memref<100000x128xf32, #tpu.memory_space<hbm>> -> memref<128x128xf32, #tpu.memory_space<hbm>>
      %dma_start3A_140 = arith.constant 0 : i32
      %dma_start3A_141 = tpu.memref_slice %arg4[%add3A_137, %dma_start3A_140] : memref<100000x128xf32, #tpu.memory_space<hbm>> -> memref<128x128xf32, #tpu.memory_space<hbm>>
      tpu.enqueue_dma source(%arg7 : memref<128x128xf32, #tpu.memory_space<vmem>>) target(%dma_start3A_141 : memref<128x128xf32, #tpu.memory_space<hbm>>) target_semaphore(%arg11 : memref<!tpu.dma_semaphore, #tpu.memory_space<semaphore_mem>>)
      %dma_wait3A_142 = arith.constant 0 : i32
      %dma_wait3A_143 = tpu.memref_slice %arg4[%add3A_137, %dma_wait3A_142] : memref<100000x128xf32, #tpu.memory_space<hbm>> -> memref<128x128xf32, #tpu.memory_space<hbm>>
      %dma_wait3A_144 = arith.constant 0 : i32
      %dma_wait3A_145 = tpu.memref_slice %arg4[%add3A_137, %dma_wait3A_144] : memref<100000x128xf32, #tpu.memory_space<hbm>> -> memref<128x128xf32, #tpu.memory_space<hbm>>
      tpu.wait_dma2 semaphore(%arg11 : memref<!tpu.dma_semaphore, #tpu.memory_space<semaphore_mem>>) src(%arg7 : memref<128x128xf32, #tpu.memory_space<vmem>>) dst(%dma_wait3A_145 : memref<128x128xf32, #tpu.memory_space<hbm>>)
      %add3A_146 = arith.constant 2 : i32
      %add3A_147 = arith.addi %add3A_128, %add3A_146 : i32
      %mul3A_148 = arith.constant 128 : i32
      %mul3A_149 = arith.muli %add3A_147, %mul3A_148 : i32
      %dma_start3A_150 = tpu.memref_slice %arg6[%mul3A_149] : memref<3328xi32, #tpu.memory_space<vmem>> -> memref<128xi32, #tpu.memory_space<vmem>>
      %dma_start3A_151 = arith.constant 0 : i32
      %dma_start3A_152 = arith.constant 0 : i32
      %dma_start3A_153 = tpu.memref_slice %arg5[%dma_start3A_151, %dma_start3A_152] : memref<10000x128xf32, #tpu.memory_space<vmem_shared>> -> memref<10000x128xf32, #tpu.memory_space<vmem_shared>>
      tpu.enqueue_indirect_dma source(%dma_start3A_153 : memref<10000x128xf32, #tpu.memory_space<vmem_shared>>) target(%arg7 : memref<128x128xf32, #tpu.memory_space<vmem>>) offsets(%dma_start3A_150 : memref<128xi32, #tpu.memory_space<vmem>>) semaphore(%arg9 : memref<!tpu.dma_semaphore, #tpu.memory_space<semaphore_mem>>)
      %mul3A_154 = arith.constant 2 : i32
      %mul3A_155 = arith.muli %while3A_124, %mul3A_154 : i32
      %add3A_156 = arith.constant 1 : i32
      %add3A_157 = arith.addi %mul3A_155, %add3A_156 : i32
      %mul3A_158 = arith.constant 128 : i32
      %mul3A_159 = arith.muli %add3A_157, %mul3A_158 : i32
      %dma_wait3A_160 = tpu.memref_slice %arg6[%mul3A_159] : memref<3328xi32, #tpu.memory_space<vmem>> -> memref<128xi32, #tpu.memory_space<vmem>>
      %dma_wait3A_161 = arith.constant 0 : i32
      %dma_wait3A_162 = arith.constant 0 : i32
      %dma_wait3A_163 = tpu.memref_slice %arg5[%dma_wait3A_161, %dma_wait3A_162] : memref<10000x128xf32, #tpu.memory_space<vmem_shared>> -> memref<10000x128xf32, #tpu.memory_space<vmem_shared>>
      tpu.wait_indirect_dma semaphore(%arg10 : memref<!tpu.dma_semaphore, #tpu.memory_space<semaphore_mem>>) src(%dma_wait3A_163 : memref<10000x128xf32, #tpu.memory_space<vmem_shared>>) dst(%arg8 : memref<128x128xf32, #tpu.memory_space<vmem>>)
      %mul3A_164 = arith.constant 128 : i32
      %mul3A_165 = arith.muli %add3A_157, %mul3A_164 : i32
      %add3A_166 = arith.addi %mul3A_14, %mul3A_165 : i32
      %dma_start3A_167 = arith.constant 0 : i32
      %dma_start3A_168 = tpu.memref_slice %arg4[%add3A_166, %dma_start3A_167] : memref<100000x128xf32, #tpu.memory_space<hbm>> -> memref<128x128xf32, #tpu.memory_space<hbm>>
      %dma_start3A_169 = arith.constant 0 : i32
      %dma_start3A_170 = tpu.memref_slice %arg4[%add3A_166, %dma_start3A_169] : memref<100000x128xf32, #tpu.memory_space<hbm>> -> memref<128x128xf32, #tpu.memory_space<hbm>>
      tpu.enqueue_dma source(%arg8 : memref<128x128xf32, #tpu.memory_space<vmem>>) target(%dma_start3A_170 : memref<128x128xf32, #tpu.memory_space<hbm>>) target_semaphore(%arg12 : memref<!tpu.dma_semaphore, #tpu.memory_space<semaphore_mem>>)
      %dma_wait3A_171 = arith.constant 0 : i32
      %dma_wait3A_172 = tpu.memref_slice %arg4[%add3A_166, %dma_wait3A_171] : memref<100000x128xf32, #tpu.memory_space<hbm>> -> memref<128x128xf32, #tpu.memory_space<hbm>>
      %dma_wait3A_173 = arith.constant 0 : i32
      %dma_wait3A_174 = tpu.memref_slice %arg4[%add3A_166, %dma_wait3A_173] : memref<100000x128xf32, #tpu.memory_space<hbm>> -> memref<128x128xf32, #tpu.memory_space<hbm>>
      tpu.wait_dma2 semaphore(%arg12 : memref<!tpu.dma_semaphore, #tpu.memory_space<semaphore_mem>>) src(%arg8 : memref<128x128xf32, #tpu.memory_space<vmem>>) dst(%dma_wait3A_174 : memref<128x128xf32, #tpu.memory_space<hbm>>)
      %add3A_175 = arith.constant 2 : i32
      %add3A_176 = arith.addi %add3A_157, %add3A_175 : i32
      %mul3A_177 = arith.constant 128 : i32
      %mul3A_178 = arith.muli %add3A_176, %mul3A_177 : i32
      %dma_start3A_179 = tpu.memref_slice %arg6[%mul3A_178] : memref<3328xi32, #tpu.memory_space<vmem>> -> memref<128xi32, #tpu.memory_space<vmem>>
      %dma_start3A_180 = arith.constant 0 : i32
      %dma_start3A_181 = arith.constant 0 : i32
      %dma_start3A_182 = tpu.memref_slice %arg5[%dma_start3A_180, %dma_start3A_181] : memref<10000x128xf32, #tpu.memory_space<vmem_shared>> -> memref<10000x128xf32, #tpu.memory_space<vmem_shared>>
      tpu.enqueue_indirect_dma source(%dma_start3A_182 : memref<10000x128xf32, #tpu.memory_space<vmem_shared>>) target(%arg8 : memref<128x128xf32, #tpu.memory_space<vmem>>) offsets(%dma_start3A_179 : memref<128xi32, #tpu.memory_space<vmem>>) semaphore(%arg10 : memref<!tpu.dma_semaphore, #tpu.memory_space<semaphore_mem>>)
    }
    %sub3A_78 = arith.constant 2 : i32
    %sub3A_79 = arith.subi %select_n3A, %sub3A_78 : i32
    %add3A_80 = arith.constant 0 : i32
    %add3A_81 = arith.addi %sub3A_79, %add3A_80 : i32
    %mul3A_82 = arith.constant 128 : i32
    %mul3A_83 = arith.muli %add3A_81, %mul3A_82 : i32
    %dma_wait3A = tpu.memref_slice %arg6[%mul3A_83] : memref<3328xi32, #tpu.memory_space<vmem>> -> memref<128xi32, #tpu.memory_space<vmem>>
    %dma_wait3A_84 = arith.constant 0 : i32
    %dma_wait3A_85 = arith.constant 0 : i32
    %dma_wait3A_86 = tpu.memref_slice %arg5[%dma_wait3A_84, %dma_wait3A_85] : memref<10000x128xf32, #tpu.memory_space<vmem_shared>> -> memref<10000x128xf32, #tpu.memory_space<vmem_shared>>
    tpu.wait_indirect_dma semaphore(%arg9 : memref<!tpu.dma_semaphore, #tpu.memory_space<semaphore_mem>>) src(%dma_wait3A_86 : memref<10000x128xf32, #tpu.memory_space<vmem_shared>>) dst(%arg7 : memref<128x128xf32, #tpu.memory_space<vmem>>)
    %mul3A_87 = arith.constant 128 : i32
    %mul3A_88 = arith.muli %add3A_81, %mul3A_87 : i32
    %add3A_89 = arith.addi %mul3A_14, %mul3A_88 : i32
    %dma_start3A_90 = arith.constant 0 : i32
    %dma_start3A_91 = tpu.memref_slice %arg4[%add3A_89, %dma_start3A_90] : memref<100000x128xf32, #tpu.memory_space<hbm>> -> memref<128x128xf32, #tpu.memory_space<hbm>>
    %dma_start3A_92 = arith.constant 0 : i32
    %dma_start3A_93 = tpu.memref_slice %arg4[%add3A_89, %dma_start3A_92] : memref<100000x128xf32, #tpu.memory_space<hbm>> -> memref<128x128xf32, #tpu.memory_space<hbm>>
    tpu.enqueue_dma source(%arg7 : memref<128x128xf32, #tpu.memory_space<vmem>>) target(%dma_start3A_93 : memref<128x128xf32, #tpu.memory_space<hbm>>) target_semaphore(%arg11 : memref<!tpu.dma_semaphore, #tpu.memory_space<semaphore_mem>>)
    %sub3A_94 = arith.constant 2 : i32
    %sub3A_95 = arith.subi %select_n3A, %sub3A_94 : i32
    %add3A_96 = arith.constant 1 : i32
    %add3A_97 = arith.addi %sub3A_95, %add3A_96 : i32
    %mul3A_98 = arith.constant 128 : i32
    %mul3A_99 = arith.muli %add3A_97, %mul3A_98 : i32
    %dma_wait3A_100 = tpu.memref_slice %arg6[%mul3A_99] : memref<3328xi32, #tpu.memory_space<vmem>> -> memref<128xi32, #tpu.memory_space<vmem>>
    %dma_wait3A_101 = arith.constant 0 : i32
    %dma_wait3A_102 = arith.constant 0 : i32
    %dma_wait3A_103 = tpu.memref_slice %arg5[%dma_wait3A_101, %dma_wait3A_102] : memref<10000x128xf32, #tpu.memory_space<vmem_shared>> -> memref<10000x128xf32, #tpu.memory_space<vmem_shared>>
    tpu.wait_indirect_dma semaphore(%arg10 : memref<!tpu.dma_semaphore, #tpu.memory_space<semaphore_mem>>) src(%dma_wait3A_103 : memref<10000x128xf32, #tpu.memory_space<vmem_shared>>) dst(%arg8 : memref<128x128xf32, #tpu.memory_space<vmem>>)
    %mul3A_104 = arith.constant 128 : i32
    %mul3A_105 = arith.muli %add3A_97, %mul3A_104 : i32
    %add3A_106 = arith.addi %mul3A_14, %mul3A_105 : i32
    %dma_start3A_107 = arith.constant 0 : i32
    %dma_start3A_108 = tpu.memref_slice %arg4[%add3A_106, %dma_start3A_107] : memref<100000x128xf32, #tpu.memory_space<hbm>> -> memref<128x128xf32, #tpu.memory_space<hbm>>
    %dma_start3A_109 = arith.constant 0 : i32
    %dma_start3A_110 = tpu.memref_slice %arg4[%add3A_106, %dma_start3A_109] : memref<100000x128xf32, #tpu.memory_space<hbm>> -> memref<128x128xf32, #tpu.memory_space<hbm>>
    tpu.enqueue_dma source(%arg8 : memref<128x128xf32, #tpu.memory_space<vmem>>) target(%dma_start3A_110 : memref<128x128xf32, #tpu.memory_space<hbm>>) target_semaphore(%arg12 : memref<!tpu.dma_semaphore, #tpu.memory_space<semaphore_mem>>)
    %dma_wait3A_111 = arith.constant 0 : i32
    %dma_wait3A_112 = tpu.memref_slice %arg4[%add3A_89, %dma_wait3A_111] : memref<100000x128xf32, #tpu.memory_space<hbm>> -> memref<128x128xf32, #tpu.memory_space<hbm>>
    %dma_wait3A_113 = arith.constant 0 : i32
    %dma_wait3A_114 = tpu.memref_slice %arg4[%add3A_89, %dma_wait3A_113] : memref<100000x128xf32, #tpu.memory_space<hbm>> -> memref<128x128xf32, #tpu.memory_space<hbm>>
    tpu.wait_dma2 semaphore(%arg11 : memref<!tpu.dma_semaphore, #tpu.memory_space<semaphore_mem>>) src(%arg7 : memref<128x128xf32, #tpu.memory_space<vmem>>) dst(%dma_wait3A_114 : memref<128x128xf32, #tpu.memory_space<hbm>>)
    %dma_wait3A_115 = arith.constant 0 : i32
    %dma_wait3A_116 = tpu.memref_slice %arg4[%add3A_106, %dma_wait3A_115] : memref<100000x128xf32, #tpu.memory_space<hbm>> -> memref<128x128xf32, #tpu.memory_space<hbm>>
    %dma_wait3A_117 = arith.constant 0 : i32
    %dma_wait3A_118 = tpu.memref_slice %arg4[%add3A_106, %dma_wait3A_117] : memref<100000x128xf32, #tpu.memory_space<hbm>> -> memref<128x128xf32, #tpu.memory_space<hbm>>
    tpu.wait_dma2 semaphore(%arg12 : memref<!tpu.dma_semaphore, #tpu.memory_space<semaphore_mem>>) src(%arg8 : memref<128x128xf32, #tpu.memory_space<vmem>>) dst(%dma_wait3A_118 : memref<128x128xf32, #tpu.memory_space<hbm>>)
    %eq3A_119 = arith.constant 31 : i32
    %eq3A_120 = arith.cmpi eq, %add3A, %eq3A_119 : i32
    %convert_element_type3A_121 = arith.extui %eq3A_120 : i1 to i32
    %cond3A_122 = arith.constant 0 : i32
    %cond3A_123 = arith.cmpi ne, %convert_element_type3A_121, %cond3A_122 : i32
    scf.if %cond3A_123 {
      %dma_start3A_124 = arith.constant 3072 : i32
      %dma_start3A_125 = tpu.memref_slice %arg6[%dma_start3A_124] : memref<3328xi32, #tpu.memory_space<vmem>> -> memref<128xi32, #tpu.memory_space<vmem>>
      %dma_start3A_126 = arith.constant 0 : i32
      %dma_start3A_127 = arith.constant 0 : i32
      %dma_start3A_128 = tpu.memref_slice %arg5[%dma_start3A_126, %dma_start3A_127] : memref<10000x128xf32, #tpu.memory_space<vmem_shared>> -> memref<10000x128xf32, #tpu.memory_space<vmem_shared>>
      tpu.enqueue_indirect_dma source(%dma_start3A_128 : memref<10000x128xf32, #tpu.memory_space<vmem_shared>>) target(%arg7 : memref<128x128xf32, #tpu.memory_space<vmem>>) offsets(%dma_start3A_125 : memref<128xi32, #tpu.memory_space<vmem>>) semaphore(%arg9 : memref<!tpu.dma_semaphore, #tpu.memory_space<semaphore_mem>>)
      %dma_wait3A_129 = arith.constant 3072 : i32
      %dma_wait3A_130 = tpu.memref_slice %arg6[%dma_wait3A_129] : memref<3328xi32, #tpu.memory_space<vmem>> -> memref<128xi32, #tpu.memory_space<vmem>>
      %dma_wait3A_131 = arith.constant 0 : i32
      %dma_wait3A_132 = arith.constant 0 : i32
      %dma_wait3A_133 = tpu.memref_slice %arg5[%dma_wait3A_131, %dma_wait3A_132] : memref<10000x128xf32, #tpu.memory_space<vmem_shared>> -> memref<10000x128xf32, #tpu.memory_space<vmem_shared>>
      tpu.wait_indirect_dma semaphore(%arg9 : memref<!tpu.dma_semaphore, #tpu.memory_space<semaphore_mem>>) src(%dma_wait3A_133 : memref<10000x128xf32, #tpu.memory_space<vmem_shared>>) dst(%arg7 : memref<128x128xf32, #tpu.memory_space<vmem>>)
      %dma_start3A_134 = arith.constant 99840 : i32
      %dma_start3A_135 = arith.constant 0 : i32
      %dma_start3A_136 = tpu.memref_slice %arg4[%dma_start3A_134, %dma_start3A_135] : memref<100000x128xf32, #tpu.memory_space<hbm>> -> memref<128x128xf32, #tpu.memory_space<hbm>>
      %dma_start3A_137 = arith.constant 99840 : i32
      %dma_start3A_138 = arith.constant 0 : i32
      %dma_start3A_139 = tpu.memref_slice %arg4[%dma_start3A_137, %dma_start3A_138] : memref<100000x128xf32, #tpu.memory_space<hbm>> -> memref<128x128xf32, #tpu.memory_space<hbm>>
      tpu.enqueue_dma source(%arg7 : memref<128x128xf32, #tpu.memory_space<vmem>>) target(%dma_start3A_139 : memref<128x128xf32, #tpu.memory_space<hbm>>) target_semaphore(%arg11 : memref<!tpu.dma_semaphore, #tpu.memory_space<semaphore_mem>>)
      %dma_wait3A_140 = arith.constant 99840 : i32
      %dma_wait3A_141 = arith.constant 0 : i32
      %dma_wait3A_142 = tpu.memref_slice %arg4[%dma_wait3A_140, %dma_wait3A_141] : memref<100000x128xf32, #tpu.memory_space<hbm>> -> memref<128x128xf32, #tpu.memory_space<hbm>>
      %dma_wait3A_143 = arith.constant 99840 : i32
      %dma_wait3A_144 = arith.constant 0 : i32
      %dma_wait3A_145 = tpu.memref_slice %arg4[%dma_wait3A_143, %dma_wait3A_144] : memref<100000x128xf32, #tpu.memory_space<hbm>> -> memref<128x128xf32, #tpu.memory_space<hbm>>
      tpu.wait_dma2 semaphore(%arg11 : memref<!tpu.dma_semaphore, #tpu.memory_space<semaphore_mem>>) src(%arg7 : memref<128x128xf32, #tpu.memory_space<vmem>>) dst(%dma_wait3A_145 : memref<128x128xf32, #tpu.memory_space<hbm>>)
      %dma_start3A_146 = arith.constant 0 : i32
      %dma_start3A_147 = arith.constant 0 : i32
      %dma_start3A_148 = tpu.memref_slice %arg7[%dma_start3A_146, %dma_start3A_147] : memref<128x128xf32, #tpu.memory_space<vmem>> -> memref<32x128xf32, #tpu.memory_space<vmem>>
      %dma_start3A_149 = arith.constant 3200 : i32
      %dma_start3A_150 = tpu.memref_slice %arg6[%dma_start3A_149] : memref<3328xi32, #tpu.memory_space<vmem>> -> memref<32xi32, #tpu.memory_space<vmem>>
      %dma_start3A_151 = arith.constant 0 : i32
      %dma_start3A_152 = arith.constant 0 : i32
      %dma_start3A_153 = tpu.memref_slice %arg5[%dma_start3A_151, %dma_start3A_152] : memref<10000x128xf32, #tpu.memory_space<vmem_shared>> -> memref<10000x128xf32, #tpu.memory_space<vmem_shared>>
      tpu.enqueue_indirect_dma source(%dma_start3A_153 : memref<10000x128xf32, #tpu.memory_space<vmem_shared>>) target(%dma_start3A_148 : memref<32x128xf32, #tpu.memory_space<vmem>>) offsets(%dma_start3A_150 : memref<32xi32, #tpu.memory_space<vmem>>) semaphore(%arg9 : memref<!tpu.dma_semaphore, #tpu.memory_space<semaphore_mem>>)
      %dma_wait3A_154 = arith.constant 0 : i32
      %dma_wait3A_155 = arith.constant 0 : i32
      %dma_wait3A_156 = tpu.memref_slice %arg7[%dma_wait3A_154, %dma_wait3A_155] : memref<128x128xf32, #tpu.memory_space<vmem>> -> memref<32x128xf32, #tpu.memory_space<vmem>>
      %dma_wait3A_157 = arith.constant 3200 : i32
      %dma_wait3A_158 = tpu.memref_slice %arg6[%dma_wait3A_157] : memref<3328xi32, #tpu.memory_space<vmem>> -> memref<32xi32, #tpu.memory_space<vmem>>
      %dma_wait3A_159 = arith.constant 0 : i32
      %dma_wait3A_160 = arith.constant 0 : i32
      %dma_wait3A_161 = tpu.memref_slice %arg5[%dma_wait3A_159, %dma_wait3A_160] : memref<10000x128xf32, #tpu.memory_space<vmem_shared>> -> memref<10000x128xf32, #tpu.memory_space<vmem_shared>>
      tpu.wait_indirect_dma semaphore(%arg9 : memref<!tpu.dma_semaphore, #tpu.memory_space<semaphore_mem>>) src(%dma_wait3A_161 : memref<10000x128xf32, #tpu.memory_space<vmem_shared>>) dst(%dma_wait3A_156 : memref<32x128xf32, #tpu.memory_space<vmem>>)
      %dma_start3A_162 = arith.constant 0 : i32
      %dma_start3A_163 = arith.constant 0 : i32
      %dma_start3A_164 = tpu.memref_slice %arg7[%dma_start3A_162, %dma_start3A_163] : memref<128x128xf32, #tpu.memory_space<vmem>> -> memref<32x128xf32, #tpu.memory_space<vmem>>
      %dma_start3A_165 = arith.constant 99968 : i32
      %dma_start3A_166 = arith.constant 0 : i32
      %dma_start3A_167 = tpu.memref_slice %arg4[%dma_start3A_165, %dma_start3A_166] : memref<100000x128xf32, #tpu.memory_space<hbm>> -> memref<32x128xf32, #tpu.memory_space<hbm>>
      %dma_start3A_168 = arith.constant 99968 : i32
      %dma_start3A_169 = arith.constant 0 : i32
      %dma_start3A_170 = tpu.memref_slice %arg4[%dma_start3A_168, %dma_start3A_169] : memref<100000x128xf32, #tpu.memory_space<hbm>> -> memref<32x128xf32, #tpu.memory_space<hbm>>
      %dma_start3A_171 = arith.constant 0 : i32
      %dma_start3A_172 = arith.constant 0 : i32
      %dma_start3A_173 = tpu.memref_slice %arg7[%dma_start3A_171, %dma_start3A_172] : memref<128x128xf32, #tpu.memory_space<vmem>> -> memref<32x128xf32, #tpu.memory_space<vmem>>
      tpu.enqueue_dma source(%dma_start3A_173 : memref<32x128xf32, #tpu.memory_space<vmem>>) target(%dma_start3A_170 : memref<32x128xf32, #tpu.memory_space<hbm>>) target_semaphore(%arg11 : memref<!tpu.dma_semaphore, #tpu.memory_space<semaphore_mem>>)
      %dma_wait3A_174 = arith.constant 0 : i32
      %dma_wait3A_175 = arith.constant 0 : i32
      %dma_wait3A_176 = tpu.memref_slice %arg7[%dma_wait3A_174, %dma_wait3A_175] : memref<128x128xf32, #tpu.memory_space<vmem>> -> memref<32x128xf32, #tpu.memory_space<vmem>>
      %dma_wait3A_177 = arith.constant 99968 : i32
      %dma_wait3A_178 = arith.constant 0 : i32
      %dma_wait3A_179 = tpu.memref_slice %arg4[%dma_wait3A_177, %dma_wait3A_178] : memref<100000x128xf32, #tpu.memory_space<hbm>> -> memref<32x128xf32, #tpu.memory_space<hbm>>
      %dma_wait3A_180 = arith.constant 99968 : i32
      %dma_wait3A_181 = arith.constant 0 : i32
      %dma_wait3A_182 = tpu.memref_slice %arg4[%dma_wait3A_180, %dma_wait3A_181] : memref<100000x128xf32, #tpu.memory_space<hbm>> -> memref<32x128xf32, #tpu.memory_space<hbm>>
      %dma_wait3A_183 = arith.constant 0 : i32
      %dma_wait3A_184 = arith.constant 0 : i32
      %dma_wait3A_185 = tpu.memref_slice %arg7[%dma_wait3A_183, %dma_wait3A_184] : memref<128x128xf32, #tpu.memory_space<vmem>> -> memref<32x128xf32, #tpu.memory_space<vmem>>
      tpu.wait_dma2 semaphore(%arg11 : memref<!tpu.dma_semaphore, #tpu.memory_space<semaphore_mem>>) src(%dma_wait3A_185 : memref<32x128xf32, #tpu.memory_space<vmem>>) dst(%dma_wait3A_182 : memref<32x128xf32, #tpu.memory_space<hbm>>)
    } else {
    }
    return
  }
}

</mosaic_0001>

<sc_bundles>
// kernel: kernel.3.cloned.1.call-start
scs
__scs_entry_jumppad:
0x0: {  	(pc) =	sbr.rel $0x88, $3  }
0x1: {  	(tag) =	ssettag $0x0;
	lr =	simm.s32 $0x1  }
0x2: {  	[smem:$0x3F9F] =	sst lr;
	_ =	strace $0xD0000000  }
0x3: {  	_ = 	snop  }
0x4: {  	_ = 	snop  }
0x5: {  	_ = 	snop  }
0x6: {  	_ = 	snop  }
0x7: {  	_ = 	snop  }
__scs_overlays_trampoline_lowered:
0x8: {  	[smem:$0x3FAE] =	sst s0  }
0x9: {  	[smem:$0x3FAF] =	sst s1  }
0xa: {  	[smem:$0x3FB0] =	sst s2  }
0xb: {  	[smem:$0x3FB1] =	sst s3  }
0xc: {  	[smem:$0x3FB2] =	sst s4  }
0xd: {  	[smem:$0x3FB3] =	sst s5  }
0xe: {  	[smem:$0x3FB4] =	sst s6  }
0xf: {  	[smem:$0x3FB5] =	sst s7  }
0x10: {  	[smem:$0x3FB6] =	sst s8  }
0x11: {  	[smem:$0x3FB7] =	sst s9;
	s0 =	simm.s32 @!p0 $0x0  }
0x12: {  	s1 =	sld [smem:$0x3F9D];
	s0 =	simm.s32 @p0 $0x1  }
0x13: {  	[smem:$0x3FB8] =	sst s0;
	s0 =	simm.s32 @!p1 $0x0  }
0x14: {  	s2 =	sld [smem:$0x3F9C];
	s0 =	simm.s32 @p1 $0x1  }
0x15: {  	[smem:$0x3FB9] =	sst s0;
	s0 =	simm.s32 @!p2 $0x0  }
0x16: {  	s3 =	sld [smem:$0x3FDB];
	s0 =	simm.s32 @p2 $0x1  }
0x17: {  	s4 =	simm.s32 $0x1BF5;
	[smem:$0x3FBB] =	sst s0  }
0x18: {  	s0 =	sld [smem:$0x3F9E];
	_ =	swait.ge [sflag:s4], $0x0  }
0x19: {  	s7 =	sld [smem:$0x3F9F]  }
0x1a: {  	s8 =	sadd.s32 $0xFFFFE003, lr  }
0x1b: {  	s9 =	sadd.s32 $0xFFFFFEF7, lr;
	s5 =	simm.s32 $0xFFFFFFFF;
	p2 =	slt.u32 s8, $0xFFFFF086  }
0x1c: {  	p1 =	slt.u32 s9, $0xF7A;
	s5 =	simm.s32 @!p2 $0x0  }
0x1d: {  	s5 =	simm.s32 @p1 $0x1;
	p0 =	seq.s32 s7, s2  }
0x1e: {  	s7 =	smul.u32 @!p0 $0xF7A, s2;
	p2 =	seq.s32 @!p0 s5, $0x0  }
0x1f: {  	s9 =	smul.u32 $0xF7A, s1;
	s8 =	simm.s32 @!p0 $0x1BF5;
	p2 =	por !p2, p0  }
0x20: {  	[sflag:s8] =	ssyncset.s32 @!p0 $0xFFFFF086;
	s6 =	sadd.s32 @!p0 s3, s7;
	s7 =	simm.s32 @!p0 $0x108  }
0x21: {  	s3 =	sadd.s32 s3, s9;
	s6 =	sadd.s32 @!p0 $0x88, s6;
	s7 =	simm.s32 @p2 $0x1082  }
0x22: {  	[simem:s7], [sflag:s8] =	dma.local @!p0 [hbm:s6], $0xF7A  }
0x23: {  	s9 =	sor.u32 $0xD0000000, s2;
	s6 =	simm.s32 $0x108;
	_ =	swait.ge @!p0 [sflag:s8], $0x0  }
0x24: {  	s3 =	sadd.s32 $0x88, s3;
	s6 =	simm.s32 @!p1 $0x1082;
	[sflag:s4] =	ssyncset.s32 $0xFFFFF086  }
0x25: {  	[simem:s6], [sflag:s4] =	dma.local [hbm:s3], $0xF7A  }
0x26: {  	[smem:$0x3F9F] =	sst s1;
	(tag) =	ssettag s2;
	_ =	strace s9  }
0x27: {  	s1 =	sld [smem:$0x3FAF]  }
0x28: {  	s2 =	sld [smem:$0x3FB0]  }
0x29: {  	s4 =	sld [smem:$0x3FB2]  }
0x2a: {  	p0 =	seq.s32 s5, $0x0;
	s5 =	sld [smem:$0x3FB3]  }
0x2b: {  	s6 =	sld [smem:$0x3FB4]  }
0x2c: {  	s7 =	sld [smem:$0x3FB5]  }
0x2d: {  	s3 =	simm.s32 $0x108;
	s8 =	sld [smem:$0x3FB6]  }
0x2e: {  	s3 =	simm.s32 @!p0 $0x1082;
	s9 =	sld [smem:$0x3FB7]  }
0x2f: {  	lr =	sadd.s32 s0, s3;
	s0 =	sld [smem:$0x3FAE]  }
0x30: {  	s3 =	sld [smem:$0x3FB1]  }
0x31: {  	[smem:$0x3FBA] =	sst s10  }
0x32: {  	s10 =	sld [smem:$0x3FB8];
	_ =	sdelay $0x3  }
0x33: {  	p0 =	seq.s32 s10, $0x1;
	s10 =	sld [smem:$0x3FBA];
	_ =	sdelay $0x3  }
0x34: {  	[smem:$0x3FBA] =	sst s10  }
0x35: {  	s10 =	sld [smem:$0x3FB9];
	_ =	sdelay $0x3  }
0x36: {  	p1 =	seq.s32 s10, $0x1;
	s10 =	sld [smem:$0x3FBA];
	_ =	sdelay $0x3  }
0x37: {  	[smem:$0x3FBA] =	sst s10  }
0x38: {  	s10 =	sld [smem:$0x3FBB]  }
0x39: {  	_ = 	snop;
	(pc) =	sbr.ind lr, $3  }
0x3a: {  	_ = 	snop  }
0x3b: {  	_ = 	snop  }
0x3c: {  	p2 =	seq.s32 s10, $0x1;
	s10 =	sld [smem:$0x3FBA]  }
0x3d: {  	_ =	shalt  }
0x3e: {  	_ =	shalt  }
0x3f: {  	_ =	shalt  }
0x40: {  	_ =	shalt  }
0x41: {  	_ =	shalt  }
0x42: {  	_ =	shalt  }
0x43: {  	_ =	shalt  }
0x44: {  	_ =	shalt  }
0x45: {  	_ =	shalt  }
0x46: {  	_ =	shalt  }
0x47: {  	_ =	shalt  }
0x48: {  	_ =	shalt  }
0x49: {  	_ =	shalt  }
0x4a: {  	_ =	shalt  }
0x4b: {  	_ =	shalt  }
0x4c: {  	_ =	shalt  }
0x4d: {  	_ =	shalt  }
0x4e: {  	_ =	shalt  }
0x4f: {  	_ =	shalt  }
0x50: {  	_ =	shalt  }
0x51: {  	_ =	shalt  }
0x52: {  	_ =	shalt  }
0x53: {  	_ =	shalt  }
0x54: {  	_ =	shalt  }
0x55: {  	_ =	shalt  }
0x56: {  	_ =	shalt  }
0x57: {  	_ =	shalt  }
0x58: {  	_ =	shalt  }
0x59: {  	_ =	shalt  }
0x5a: {  	_ =	shalt  }
0x5b: {  	_ =	shalt  }
0x5c: {  	_ =	shalt  }
0x5d: {  	_ =	shalt  }
0x5e: {  	_ =	shalt  }
0x5f: {  	_ =	shalt  }
0x60: {  	_ =	shalt  }
0x61: {  	_ =	shalt  }
0x62: {  	_ =	shalt  }
0x63: {  	_ =	shalt  }
0x64: {  	_ =	shalt  }
0x65: {  	_ =	shalt  }
0x66: {  	_ =	shalt  }
0x67: {  	_ =	shalt  }
0x68: {  	_ =	shalt  }
0x69: {  	_ =	shalt  }
0x6a: {  	_ =	shalt  }
0x6b: {  	_ =	shalt  }
0x6c: {  	_ =	shalt  }
0x6d: {  	_ =	shalt  }
0x6e: {  	_ =	shalt  }
0x6f: {  	_ =	shalt  }
0x70: {  	_ =	shalt  }
0x71: {  	_ =	shalt  }
0x72: {  	_ =	shalt  }
0x73: {  	_ =	shalt  }
0x74: {  	_ =	shalt  }
0x75: {  	_ =	shalt  }
0x76: {  	_ =	shalt  }
0x77: {  	_ =	shalt  }
0x78: {  	_ =	shalt  }
0x79: {  	_ =	shalt  }
0x7a: {  	_ =	shalt  }
0x7b: {  	_ =	shalt  }
0x7c: {  	_ =	shalt  }
0x7d: {  	_ =	shalt  }
0x7e: {  	_ =	shalt  }
0x7f: {  	_ =	shalt  }
0x80: {  	_ =	shalt  }
0x81: {  	_ =	shalt  }
0x82: {  	_ =	shalt  }
0x83: {  	_ =	shalt  }
0x84: {  	_ =	shalt  }
0x85: {  	_ =	shalt  }
0x86: {  	_ =	shalt  }
0x87: {  	_ =	shalt  }
.Lfunc_end0:
.L_simem_size_0:
called_computation_lowered:
.L_overlay_start_0:
0x88: {  	s2 =	sld [smem:$0x3FD9]  }
0x89: {  	s3 =	sld [smem:$0x3FFE];
	_ =	sdelay $0x1  }
0x8a: {  	s1 =	srdreg.scid  }
0x8b: {  	s0 =	sand.u32 $0x1, s1  }
0x8c: {  	s18 =	sshll.u32 s0, $0xA;
	s2 =	sadd.s32 s3, s2  }
0x8d: {  	s2 =	sadd.s32 s2, s18  }
0x8e: {  	[smem:$0x3FC6] =	sst s2  }
0x8f: {  	_ = 	snop  }
0x90: {  	s2 =	sld [smem:$0x3FC9]  }
0x91: {  	s19 =	sld [smem:$0x3FC8]  }
0x92: {  	s4 =	sld [smem:$0x3FD0];
	(tm) =	ssettm $0x1  }
0x93: {  	s5 =	sld [smem:$0x3FFB];
	_ =	sdelay $0x3  }
0x94: {  	_ =	strace s5  }
0x95: {  	s5 =	sld [smem:$0x3FFC];
	_ =	sdelay $0x3  }
0x96: {  	_ =	strace s5  }
0x97: {  	s5 =	sld [smem:$0x3FFD];
	_ =	sdelay $0x3  }
0x98: {  	_ =	strace s5  }
0x99: {  	_ =	strace $0x8FFFFFFF  }
0x9a: {  	s20 =	sld [smem:$0x3FDB];
	_ =	sdelay $0x1  }
0x9b: {  	s6 =	simm.s32 $_scs_section_size  }
0x9c: {  	s7 =	simm.s32 $_size__tile_overlayer_lowered;
	s8 =	simm.s32 $_tile_overlayer_lowered  }
0x9d: {  	s23 =	simm.s32 $0x1BFF;
	s22 =	sshll.u32 s8, $0x1;
	s5 =	sadd.s32 s6, s20  }
0x9e: {  	s9 =	simm.s32 $0x0;
	s21 =	sshll.u32 s7, $0x1;
	s7 =	sadd.s32 s22, s5  }
0x9f: {  	[timem:s9], [sflag:s23] =	dma.local [hbm:s7], s21  }
0xa0: {  	_ =	swait.ge [sflag:s23], s21  }
0xa1: {  	s6 =	ssub.s32 $0x0, s21;
	[sflag:s23] =	ssyncset.done $0x0  }
0xa2: {  	[sflag:s23] =	ssyncadd.s32 s6;
	_ =	sdelay $0x1  }
0xa3: {  	s24 =	simm.s32 $0x1B8B  }
0xa4: {  	_ =	swait.ge [sflag:s24], $0x1  }
0xa5: {  	[sflag:s24] =	ssyncset.done $0x0  }
0xa6: {  	s25 =	simm.s32 $0x1B8E;
	[sflag:s24] =	ssyncadd.s32 $0xFFFFFFFF  }
0xa7: {  	s26 =	simm.s32 $execute0_lowered;
	[smem:$0x3FD2] =	sst s25  }
0xa8: {  	s6 =	sshll.u32 s26, $0x1;
	_ =	strace $0x80000046;
	[dreg:$0x1] =	wrdreg $0xFFFFFFFF  }
0xa9: {  	s28 =	simm.s32 $_size_execute0_lowered;
	s5 =	sadd.s32 s5, s6;
	[dreg:$0x0] =	wrdreg $0x0  }
0xaa: {  	s6 =	sshll.u32 s28, $0x1;
	[dreg:$0x2] =	wrdreg s5  }
0xab: {  	[dreg:$0x3] =	wrdreg s6  }
0xac: {  	[dreg:$0x4] =	wrdreg $0xC0  }
0xad: {  	_ =	task [dreg:s9], $0x5FFFF  }
0xae: {  	[dreg:$0x1] =	wrdreg $0xFFFFFFFF  }
0xaf: {  	[dreg:$0x0] =	wrdreg $0x60  }
0xb0: {  	[dreg:$0x2] =	wrdreg s2  }
0xb1: {  	[dreg:$0x3] =	wrdreg s19  }
0xb2: {  	[dreg:$0x4] =	wrdreg s4  }
0xb3: {  	[dreg:$0x5] =	wrdreg $0x0  }
0xb4: {  	[dreg:$0x6] =	wrdreg $0x9  }
0xb5: {  	_ =	task.clear_ibuf [dreg:s9], $0x7FFFF;
	_ =	strace $0x90000046  }
0xb6: {  	s29 =	simm.s32 $0x9;
	_ =	strace $0x80000048  }
0xb7: {  	_ =	swait.ge [sflag:s29], $0x1  }
0xb8: {  	[sflag:s29] =	ssyncadd.s32 $0xFFFFFFFF  }
0xb9: {  	_ =	strace $0x90000048  }
0xba: {  	_ =	sfence  }
0xbb: {  	s30 =	sld [smem:$0x0];
	_ =	sdelay $0x2  }
0xbc: {  	s31 =	sshll.u32 s1, $0xD;
	s1 =	sshrl.u32 s1, $0x2  }
0xbd: {  	s3 =	sand.u32 $0x4000, s31;
	s1 =	sadd.s32 s1, s30  }
0xbe: {  	s0 =	sor.u32 s3, s0;
	s1 =	sshll.u32 s1, $0x11  }
0xbf: {  	s0 =	sor.u32 s1, s0  }
0xc0: {  	s0 =	sadd.s32 $0x8F2B, s0  }
0xc1: {  	[sflag:s0] =	ssyncadd.remote.s32 $0x1  }
0xc2: {  	_ =	sfence.sel $0xFFFF  }
0xc3: {  	[dreg:$0x0] =	wrdreg $0xFFFFFFFF;
	(pc) =	sbr.abs _section_cstart, $3  }
0xc4: {  	[dreg:$0x1] =	wrdreg $0xFFFFFFFF  }
0xc5: {  	_ =	task.clear_ibuf [dreg:s9], $0x2FFFF;
	_ =	strace $0x9FFFFFFF  }
0xc6: {  	(tm) =	ssettm $0x7FFFFFFF  }
0xc7: {  	_ =	shalt  }
tec
execute0_lowered:
.L_overlay_start_1:
0x0: {  	(tag) =	ssettag $0x1  }
0x1: {  	s1 =	rddreg [dreg:$0x0]  }
0x2: {  	s0 =	rddreg [dreg:$0x1]  }
0x3: {  	s2 =	rddreg [dreg:$0x2];
	s4 =	srdreg.scid  }
0x4: {  	s20 =	stileid.u32;
	s3 =	rddreg [dreg:$0x3];
	s9 =	simm.s32 $0x1A  }
0x5: {  	s21 =	simm.s32 $0x14580;
	s28 =	simm.s32 $0x4;
	s29 =	simm.s32 $0x0  }
0x6: {  	s5 =	sand.u32 $0x1, s4;
	s6 =	sshll.u32 s20, $0x1;
	s24 =	smul.u32 $0x4E000, s20  }
0x7: {  	s4 =	simm.s32 $0x0;
	p0 =	slt.u32 s20, $0x3;
	s10 =	smul.u32 $0x2700, s20  }
0x8: {  	s17 =	sadd.s32 $0x124800, s3;
	s12 =	sadd.s32 $0x186800, s2;
	p1 =	sgt.u32 s20, $0x2  }
0x9: {  	p3 =	seq.s32 s20, $0xF;
	s16 =	sor.u32 s5, s6;
	[smem:$0x7FF] =	sst s4  }
0xa: {  	s5 =	ssub.s32 $0x2, s5;
	s9 =	simm.s32 @!p0 $0x18;
	s6 =	smul.u32 $0x18, s16  }
0xb: {  	_ =	strace $0x80000047;
	s7 =	smul.u32 $0x1A, s16;
	s8 =	sshrl.u32 s5, $0x1  }
0xc: {  	s23 =	smul.u32 $0x1A0, s16;
	s15 =	sadd.s32 $0xFFFFFFFA, s16;
	s11 =	sshll.u32 s9, $0x7  }
0xd: {  	s26 =	sshrl.u32 s24, $0x2;
	s18 =	sshrl.u32 s9, $0x1;
	s24 =	simm.s32 $0x1  }
0xe: {  	s14 =	ssub.s32 s5, s8;
	s8 =	sadd.s32 $0x24900, s1;
	s13 =	sadd.s32 $0xC, s6  }
0xf: {  	s5 =	sadd.s32 s0, s23;
	s23 =	simm.s32 $0x18580;
	s13 =	smov.u32 @p0 s7  }
0x10: {  	p0 =	sgt.u32 s15, $0x18;
	s7 =	sshll.u32 s13, $0x7;
	s25 =	sshll.u32 s13, $0x4  }
0x11: {  	s19 =	sshll.u32 s13, $0xB;
	s13 =	smax.u32 s14, $0x1;
	s14 =	sadd.s32 $0xFFFFFFFF, s18  }
0x12: {  	p4 =	sne.s32 @p0 s16, $0x1F;
	s16 =	sshrl.u32 @p3 s17, $0x3;
	s6 =	sadd.s32 s0, s25  }
0x13: {  	s30 =	sadd.s32 s7, s11;
	s0 =	sadd.s32 s26, s3;
	s7 =	sadd.s32 s1, s10  }
0x14: {  	s11 =	sadd.s32 $0x186000, s2;
	p2 =	por p4, !p0;
	p4 =	por !p4, !p0  }
0x15: {  	s25 =	simm.s32 $0x3;
	s26 =	simm.s32 $0x2;
	s31 =	sshll.u32 s30, $0x4  }
0x16: {  	s18 =	sshrl.u32 @!p3 s0, $0x3;
	s10 =	sadd.s32 s2, s31;
	s2 =	sadd.s32 s19, s2  }
0x17: {  	s19 =	simm.s32 $0x80;
	s15 =	sadd.s32 $0x800, s2;
	s2 =	sshll.u32 @!p3 s20, $0x6  }
0x18: {  	s9 =	sadd.s32 $0xFFFFF000, s10;
	s10 =	sadd.s32 $0xFFFFF800, s10;
	s17 =	sor.u32 @!p3 $0x1C05, s2  }
.LBB2_1:
0x19: {  	s0 =	simm.s32 @!p1 $0x0;
	s2 =	simm.s32 @!p1 $0x13880  }
0x1a: {  	[tilespmem:s2], [sflag:$0x5] =	stream.linear.gather @!p1 [hbm4b:s5+s0], $0xD00, $0x38;
	[tilespmem:$0x1C580] =	vst v63  }
0x1b: {  	s0 =	simm.s32 @!p1 $0x5  }
0x1c: {  	_ =	swait.ge @!p1 [sflag:s0], $0xD00  }
0x1d: {  	[sflag:s0] =	ssyncset.done @!p1 $0x0  }
0x1e: {  	s2 =	simm.s32 @!p2 $0x13880;
	[sflag:s0] =	ssyncadd.s32 @!p1 $0xFFFFF300;
	s0 =	simm.s32 @!p2 $0x0  }
0x1f: {  	[tilespmem:s2], [sflag:$0x5] =	stream.linear.gather @!p2 [hbm4b:s6+s0], $0xCA0, $0x38;
	[tilespmem:$0x1C580] =	vst v63  }
0x20: {  	s0 =	simm.s32 @!p2 $0x5  }
0x21: {  	_ =	swait.ge @!p2 [sflag:s0], $0xCA0  }
0x22: {  	[sflag:s0] =	ssyncset.done @!p2 $0x0  }
0x23: {  	s2 =	simm.s32 @!p0 $0x13880;
	[sflag:s0] =	ssyncadd.s32 @!p2 $0xFFFFF360;
	s0 =	simm.s32 @!p0 $0x0  }
0x24: {  	[tilespmem:s2], [sflag:$0x5] =	stream.linear.gather @!p0 [hbm4b:s6+s0], $0xC00, $0x38;
	[tilespmem:$0x1C580] =	vst v63  }
0x25: {  	s0 =	simm.s32 @!p0 $0x5  }
0x26: {  	_ =	swait.ge @!p0 [sflag:s0], $0xC00  }
0x27: {  	[sflag:s0] =	ssyncset.done @!p0 $0x0  }
0x28: {  	[sflag:s0] =	ssyncadd.s32 @!p0 $0xFFFFF400;
	s0 =	simm.s32 @p3 $0x1FC5  }
0x29: {  	[spmem:s16], [sflag:s0] =	dma.local @p3 [hbm:s8], $0x2800  }
0x2a: {  	s0 =	simm.s32 @p3 $0x5  }
0x2b: {  	_ =	swait.ge @p3 [sflag:s0], $0x2800  }
0x2c: {  	[sflag:s0] =	ssyncset.done @p3 $0x0  }
0x2d: {  	[sflag:s0] =	ssyncadd.s32 @p3 $0xFFFFD800;
	s0 =	simm.s32 @!p3 $0x5  }
0x2e: {  	[spmem:s18], [sflag:s17] =	dma.local @!p3 [hbm:s7], $0x2700  }
0x2f: {  	_ =	swait.ge @!p3 [sflag:s0], $0x2700  }
0x30: {  	[sflag:s0] =	ssyncset.done @!p3 $0x0  }
0x31: {  	s22 =	simm.s32 $0x13880;
	[sflag:s0] =	ssyncadd.s32 @!p3 $0xFFFFD900  }
0x32: {  	[tilespmem:s21], [sflag:$0x1] =	stream.indirect.gather [hbm4b:s1+s19], $0x80, s22, s19, $0xb8;
	[tilespmem:$0x1C580] =	vst v63  }
0x33: {  	s2 =	simm.s32 $0x13900  }
0x34: {  	[tilespmem:s23], [sflag:$0x2] =	stream.indirect.gather [hbm4b:s1+s19], $0x80, s2, s19, $0xb8;
	[tilespmem:$0x1C580] =	vst v63  }
0x35: {  	[bflag:$0x0] =	sbarrier.arrive $0xFFFF  }
0x36: {  	_ =	swait.ge [sflag:s24], $0x4000  }
0x37: {  	[sflag:s24] =	ssyncset.done $0x0  }
0x38: {  	s20 =	sadd.s32 $0xFFFFF800, s15;
	[sflag:s24] =	ssyncadd.s32 $0xFFFFC000  }
0x39: {  	[hbm4b:s20+s4] =	stream.linear.scatter [tilespmem:s21], [sflag:$0x3], $0x4000, $0x38;
	[tilespmem:$0x1C580] =	vst v63  }
0x3a: {  	_ =	swait.ge [sflag:s25], $0x4000  }
0x3b: {  	p6 =	por @p0 $0x0, $0x0;
	[sflag:s25] =	ssyncset.done $0x0  }
0x3c: {  	p5 =	por @!p2 $0x1, $0x1;
	s22 =	simm.s32 $0x13980;
	[sflag:s25] =	ssyncadd.s32 $0xFFFFC000  }
0x3d: {  	[tilespmem:s21], [sflag:$0x1] =	stream.indirect.gather [spmem:s3], $0x80, s22, s19, $0xb8;
	[tilespmem:$0x1C580] =	vst v63  }
0x3e: {  	p5 =	por @!p4 p6, p6;
	p6 =	por @!p0 $0x0, $0x0;
	_ =	swait.ge [sflag:s26], $0x4000  }
0x3f: {  	p5 =	por @!p0 p6, p6;
	p6 =	sne.s32 s14, $0x1;
	[sflag:s26] =	ssyncset.done $0x0  }
.Ltmp0:
0x40: {  	[sflag:s26] =	ssyncadd.s32 $0xFFFFC000;
	(pc) =	sbr.rel @!p6 .LBB2_3-.Ltmp0, $4  }
0x41: {  	[hbm4b:s15+s4] =	stream.linear.scatter [tilespmem:s23], [sflag:$0x4], $0x4000, $0x38;
	[tilespmem:$0x1C580] =	vst v63  }
0x42: {  	_ =	swait.ge [sflag:s28], $0x4000  }
0x43: {  	s31 =	simm.s32 $0x13A00;
	s30 =	sadd.s32 $0xFFFFFFFF, s14;
	[sflag:s28] =	ssyncset.done $0x0  }
0x44: {  	s0 =	simm.s32 $0x13B00;
	s2 =	sadd.s32 $0x1000, s15;
	[sflag:s28] =	ssyncadd.s32 $0xFFFFC000  }
.LBB2_2:
0x45: {  	[tilespmem:s23], [sflag:$0x2] =	stream.indirect.gather [spmem:s3], $0x80, s31, s19, $0xb8;
	[tilespmem:$0x1C580] =	vst v63  }
0x46: {  	p6 =	sne.s32 s30, $0x1;
	s30 =	sadd.s32 $0xFFFFFFFF, s30;
	_ =	swait.ge [sflag:s24], $0x4000  }
0x47: {  	s31 =	smov.u32 s0;
	[sflag:s24] =	ssyncset.done $0x0  }
0x48: {  	s20 =	sadd.s32 $0xFFFFF800, s2;
	[sflag:s24] =	ssyncadd.s32 $0xFFFFC000  }
0x49: {  	[hbm4b:s20+s4] =	stream.linear.scatter [tilespmem:s21], [sflag:$0x3], $0x4000, $0x38;
	[tilespmem:$0x1C580] =	vst v63  }
0x4a: {  	_ =	swait.ge [sflag:s25], $0x4000  }
0x4b: {  	[sflag:s25] =	ssyncset.done $0x0  }
0x4c: {  	s20 =	sadd.s32 $0xFFFFFF80, s0;
	[sflag:s25] =	ssyncadd.s32 $0xFFFFC000  }
0x4d: {  	[tilespmem:s21], [sflag:$0x1] =	stream.indirect.gather [spmem:s3], $0x80, s20, s19, $0xb8;
	[tilespmem:$0x1C580] =	vst v63  }
0x4e: {  	_ =	swait.ge [sflag:s26], $0x4000  }
0x4f: {  	[sflag:s26] =	ssyncset.done $0x0  }
.Ltmp1:
0x50: {  	[sflag:s26] =	ssyncadd.s32 $0xFFFFC000;
	(pc) =	sbr.rel @p6 .LBB2_2-.Ltmp1, $4  }
0x51: {  	[hbm4b:s2+s4] =	stream.linear.scatter [tilespmem:s23], [sflag:$0x4], $0x4000, $0x38;
	[tilespmem:$0x1C580] =	vst v63  }
0x52: {  	_ =	swait.ge [sflag:s28], $0x4000  }
0x53: {  	[sflag:s28] =	ssyncset.done $0x0  }
0x54: {  	s0 =	sadd.s32 $0x100, s0;
	s2 =	sadd.s32 $0x1000, s2;
	[sflag:s28] =	ssyncadd.s32 $0xFFFFC000  }
.LBB2_3:
0x55: {  	[tilespmem:s23], [sflag:$0x2] =	stream.indirect.gather [spmem:s3], $0x80, s31, s19, $0xb8;
	[tilespmem:$0x1C580] =	vst v63  }
0x56: {  	_ =	swait.ge [sflag:s24], $0x4000  }
0x57: {  	[sflag:s24] =	ssyncset.done $0x0  }
0x58: {  	[sflag:s24] =	ssyncadd.s32 $0xFFFFC000  }
0x59: {  	[hbm4b:s9+s4] =	stream.linear.scatter [tilespmem:s21], [sflag:$0x3], $0x4000, $0x38;
	[tilespmem:$0x1C580] =	vst v63  }
0x5a: {  	_ =	swait.ge [sflag:s26], $0x4000  }
0x5b: {  	[sflag:s26] =	ssyncset.done $0x0  }
0x5c: {  	[sflag:s26] =	ssyncadd.s32 $0xFFFFC000  }
0x5d: {  	[hbm4b:s10+s4] =	stream.linear.scatter [tilespmem:s23], [sflag:$0x4], $0x4000, $0x38;
	[tilespmem:$0x1C580] =	vst v63  }
0x5e: {  	_ =	swait.ge [sflag:s25], $0x4000  }
0x5f: {  	[sflag:s25] =	ssyncset.done $0x0  }
0x60: {  	[sflag:s25] =	ssyncadd.s32 $0xFFFFC000  }
0x61: {  	_ =	swait.ge [sflag:s28], $0x4000  }
0x62: {  	s0 =	simm.s32 @p5 $0x80;
	[sflag:s28] =	ssyncset.done $0x0  }
0x63: {  	s2 =	simm.s32 @p5 $0x14480;
	s20 =	simm.s32 @p5 $0x14580;
	[sflag:s28] =	ssyncadd.s32 $0xFFFFC000  }
0x64: {  	[tilespmem:s20], [sflag:$0x1] =	stream.indirect.gather @p5 [spmem:s3], $0x80, s2, s0, $0xb8;
	[tilespmem:$0x1C580] =	vst v63  }
0x65: {  	s0 =	simm.s32 @p5 $0x1  }
0x66: {  	_ =	swait.ge @p5 [sflag:s0], $0x4000  }
0x67: {  	[sflag:s0] =	ssyncset.done @p5 $0x0  }
0x68: {  	s30 =	simm.s32 @p5 $0x3;
	s2 =	simm.s32 @p5 $0x0;
	[sflag:s0] =	ssyncadd.s32 @p5 $0xFFFFC000  }
0x69: {  	[hbm4b:s11+s2] =	stream.linear.scatter @p5 [tilespmem:s20], [sflag:$0x3], $0x4000, $0x38;
	[tilespmem:$0x1C580] =	vst v63  }
0x6a: {  	_ =	swait.ge @p5 [sflag:s30], $0x4000  }
0x6b: {  	[sflag:s30] =	ssyncset.done @p5 $0x0  }
0x6c: {  	s31 =	simm.s32 @p5 $0x20;
	s22 =	simm.s32 @p5 $0x14500;
	[sflag:s30] =	ssyncadd.s32 @p5 $0xFFFFC000  }
0x6d: {  	[tilespmem:s20], [sflag:$0x1] =	stream.indirect.gather @p5 [spmem:s3], $0x80, s22, s31, $0xb8;
	[tilespmem:$0x1C580] =	vst v63  }
0x6e: {  	s29 =	sadd.s32 $0x1, s29;
	_ =	swait.ge @p5 [sflag:s0], $0x1000  }
0x6f: {  	p6 =	sne.s32 s29, s13;
	[sflag:s0] =	ssyncset.done @p5 $0x0  }
.Ltmp2:
0x70: {  	[sflag:s0] =	ssyncadd.s32 @p5 $0xFFFFF000;
	(pc) =	sbr.rel @p6 .LBB2_1-.Ltmp2, $4  }
0x71: {  	[hbm4b:s12+s2] =	stream.linear.scatter @p5 [tilespmem:s20], [sflag:$0x3], $0x1000, $0x38;
	[tilespmem:$0x1C580] =	vst v63  }
0x72: {  	_ =	swait.ge @p5 [sflag:s30], $0x1000  }
0x73: {  	[sflag:s30] =	ssyncset.done @p5 $0x0  }
0x74: {  	[sflag:s30] =	ssyncadd.s32 @p5 $0xFFFFF000  }
0x75: {  	_ =	sfence.sel $0x180000  }
0x76: {  	[bflag:$0x0] =	sbarrier.arrive $0xFFFF  }
0x77: {  	_ =	strace $0x90000047  }
0x78: {  	s0 =	stileid.u32;
	[bflag:$0x2] =	sbarrier.arrive $0xFFFF  }
0x79: {  	p0 =	sne.s32 s0, $0x0;
	s0 =	rddreg [dreg:$0x4]  }
0x7a: {  	s0 =	sadd.s32 @!p0 $0x100000, s0  }
0x7b: {  	[sflag:s0] =	ssyncadd.tile.s32 @!p0 $0x1;
	_ =	shalt  }
.Lfunc_end2:
_tile_overlayer_lowered:
.L_overlay_start_2:
0x7c: {  	(tag) =	ssettag $0x2  }
0x7d: {  	s0 =	rddreg [dreg:$0x0];
	s2 =	stileid.u32  }
0x7e: {  	s1 =	rddreg [dreg:$0x1];
	p0 =	sne.s32 s2, $0x0  }
0x7f: {  	s3 =	rddreg [dreg:$0x2];
	[bflag:$0x3] =	sbarrier.arrive $0xFFFF;
	s2 =	simm.s32 @!p0 $0x1C05  }
0x80: {  	[timem:s3], [sflag:s2] =	dma.local @!p0 [hbm:s0], s1  }
0x81: {  	s0 =	simm.s32 @!p0 $0x5  }
0x82: {  	_ =	swait.ge @!p0 [sflag:s0], s1  }
0x83: {  	s1 =	ssub.s32 @!p0 $0x0, s1;
	[sflag:s0] =	ssyncset.done @!p0 $0x0  }
0x84: {  	[sflag:s0] =	ssyncadd.s32 @!p0 s1  }
0x85: {  	[bflag:$0x3] =	sbarrier.arrive $0xFFFF  }
0x86: {  	_ =	shalt  }

</sc_bundles>
